<compile_context>
chip_gen: v7x
topology: tpu7x:2x2x1
jax: 0.10.2.dev20260603
libtpu: 0.0.44.dev20260713+nightly
codegen_flags: <defaults>
</compile_context>

<pallas_src>
import functools
import jax
import jax.numpy as jnp
from jax import lax
from jax.experimental import pallas as pl
from jax.experimental.pallas import tpu as pltpu
from jax.experimental.pallas import tpu_sc as plsc

_B = 8192
_E = 64

_NC = 2
_NS = 16
_NW = _NC * _NS
_CH = 128
_D = 128


def _tc_body(xt_ref, c_ref, idx_ref):
    xt = xt_ref[...]
    c = c_ref[...]
    c_norm = jnp.sum(c * c, axis=1, keepdims=True)
    g = jax.lax.dot_general(
        c, xt, (((1,), (0,)), ((), ())),
        preferred_element_type=jnp.float32,
        precision=jax.lax.Precision.HIGHEST)
    scores = c_norm - 2.0 * g
    m = jnp.min(scores, axis=0, keepdims=True)
    subl = jax.lax.broadcasted_iota(jnp.int32, scores.shape, 0)
    idxrow = jnp.min(jnp.where(scores == m, subl, _E), axis=0,
                     keepdims=True)
    idx_ref[...] = idxrow[:, None, :]


def _sc_body(x_hbm, cw_hbm, idx_hbm, out_hbm, idx_v, g_v, x_v, o_v, sem):
    wid = lax.axis_index("s") * _NC + lax.axis_index("c")
    rpw = 32768 // _NW
    base = wid * rpw

    def chunk(ci, carry):
        cbase = base + ci * _CH
        pltpu.sync_copy(idx_hbm.at[pl.ds(cbase, _CH)], idx_v)
        pltpu.async_copy(cw_hbm.at[idx_v], g_v, sem).wait()
        pltpu.sync_copy(x_hbm.at[pl.ds(cbase, _CH)], x_v)

        def row(i, c2):
            w16 = g_v[pl.ds(i, 1), _E:_E + 16].reshape(16)
            for j in range(4):
                c16 = g_v[pl.ds(i, 1), j * 16:(j + 1) * 16].reshape(16)
                x16 = x_v[pl.ds(i, 1), j * 16:(j + 1) * 16].reshape(16)
                o_v[pl.ds(i, 1), j * 16:(j + 1) * 16] = (
                    x16 + w16 * (c16 - x16)).reshape(1, 16)
            return c2

        lax.fori_loop(0, _CH, row, 0)
        pltpu.sync_copy(o_v, out_hbm.at[pl.ds(cbase, _CH)])
        return carry

    lax.fori_loop(0, rpw // _CH, chunk, 0)


@jax.jit
def kernel(expert_activations, attractor_centers, attraction_radii):
    batch, e = expert_activations.shape
    xt = expert_activations.T
    grid = batch // _B
    idx3 = pl.pallas_call(
        _tc_body,
        grid=(grid,),
        in_specs=[
            pl.BlockSpec((e, _B), lambda i: (0, i)),
            pl.BlockSpec((e, e), lambda i: (0, 0)),
        ],
        out_specs=pl.BlockSpec((1, 1, _B), lambda i: (i, 0, 0)),
        out_shape=jax.ShapeDtypeStruct((grid, 1, _B), jnp.int32),
    )(xt, attractor_centers)
    idx = idx3.reshape(batch)

    w = 0.1 * jax.nn.sigmoid(attraction_radii)
    cw = jnp.concatenate(
        [attractor_centers, jnp.broadcast_to(w[:, None], (e, 64))],
        axis=1)

    mesh = plsc.VectorSubcoreMesh(core_axis_name="c", subcore_axis_name="s")
    sc_kernel = functools.partial(
        pl.kernel,
        mesh=mesh,
        out_type=jax.ShapeDtypeStruct((batch, e), jnp.float32),
        scratch_types=[
            pltpu.VMEM((_CH,), jnp.int32),
            pltpu.VMEM((_CH, _D), jnp.float32),
            pltpu.VMEM((_CH, e), jnp.float32),
            pltpu.VMEM((_CH, e), jnp.float32),
            pltpu.SemaphoreType.DMA,
        ],
    )(_sc_body)
    out = sc_kernel(expert_activations, cw, idx)
    return (out, idx)

# --- scband reference (transcript-rebuilt; emitter-appended) ---
"""Pipeline reference for scband-strange-attractor-90177133347658 (READ-ONLY COPY).

The authoritative reference and input builder live on the scoring server;
editing this copy changes nothing except your own understanding.
"""

import jax, jax.numpy as jnp
import numpy as np

NUM_EXPERTS = 64
BATCH = 32768

def setup_inputs(seed: int = 0) -> dict:
    key = jax.random.key(seed)
    k1, k2, k3 = jax.random.split(key, 3)
    expert_activations = jax.random.normal(k1, (BATCH, NUM_EXPERTS), dtype=jnp.float32)
    attractor_centers = jax.random.normal(k2, (NUM_EXPERTS, NUM_EXPERTS), dtype=jnp.float32)
    attraction_radii = jnp.ones((NUM_EXPERTS,), dtype=jnp.float32)
    return {
        'expert_activations': expert_activations,
        'attractor_centers': attractor_centers,
        'attraction_radii': attraction_radii,
    }

def reference(expert_activations, attractor_centers, attraction_radii):
    # Faithful vectorization of the per-sample loop:
    # for each row b, find the attractor center with minimal L2 distance
    # (first occurrence wins, matching the strict '<' comparison in torch),
    # then pull the activation toward that center.
    # distances: [batch, num_experts]
    diffs = expert_activations[:, None, :] - attractor_centers[None, :, :]
    distances = jnp.sqrt(jnp.sum(diffs * diffs, axis=-1))
    attractor_indices = jnp.argmin(distances, axis=1)  # first min, like strict '<'
    closest_centers = jnp.take(attractor_centers, attractor_indices, axis=0)  # gather [batch, num_experts]
    direction = closest_centers - expert_activations
    attraction_strength = jax.nn.sigmoid(jnp.take(attraction_radii, attractor_indices, axis=0))  # [batch]
    attracted = expert_activations + 0.1 * attraction_strength[:, None] * direction
    return (attracted, attractor_indices)

if __name__ == "__main__":
    import jax
    _d = setup_inputs()
    print(jax.jit(kernel)(*tuple(_d.values())))

</pallas_src>

<mosaic_0001>
#map = affine_map<(d0, d1) -> (0, 0)>
#map1 = affine_map<(d0, d1) -> (0)>
module attributes {stable_mosaic.version = 14 : i64} {
  func.func @_sc_body(%arg0: i32, %arg1: i32, %arg2: memref<32768x64xf32, #tpu.memory_space<hbm>>, %arg3: memref<64x128xf32, #tpu.memory_space<hbm>>, %arg4: memref<32768xi32, #tpu.memory_space<hbm>>, %arg5: memref<32768x64xf32, #tpu.memory_space<hbm>>, %arg6: memref<128xi32, #tpu.memory_space<vmem>>, %arg7: memref<128x128xf32, #tpu.memory_space<vmem>>, %arg8: memref<128x64xf32, #tpu.memory_space<vmem>>, %arg9: memref<128x64xf32, #tpu.memory_space<vmem>>, %arg10: memref<!tpu.dma_semaphore, #tpu.memory_space<semaphore_mem>>) attributes {dimension_semantics = [#tpu.dimension_semantics<core_parallel>, #tpu.dimension_semantics<subcore_parallel>], iteration_bounds = array<i64: 2, 16>, scalar_prefetch = 0 : i64, scratch_operands = 5 : i64, tpu.core_type = #tpu.core_type<sc_vector_subcore>, window_params = [{transform_indices = #map}, {transform_indices = #map}, {transform_indices = #map1}, {transform_indices = #map}]} {
    %mul3A = arith.constant 2 : i32
    %mul3A_0 = arith.muli %arg1, %mul3A : i32
    %add3A = arith.addi %mul3A_0, %arg0 : i32
    %mul3A_1 = arith.constant 1024 : i32
    %mul3A_2 = arith.muli %add3A, %mul3A_1 : i32
    %scan3A = arith.constant 0 : i32
    %scan3A_3 = arith.constant 0 : i32
    %scan3A_4 = arith.constant 8 : i32
    %scan3A_5 = arith.addi %scan3A_3, %scan3A_4 : i32
    %scan3A_6 = arith.constant 1 : i32
    scf.for %scan3A_8 = %scan3A_3 to %scan3A_5 step %scan3A_6  : i32 {
      %mul3A_9 = arith.constant 128 : i32
      %mul3A_10 = arith.muli %scan3A_8, %mul3A_9 : i32
      %add3A_11 = arith.addi %mul3A_2, %mul3A_10 : i32
      "tpu.region"() ({
        %run_scoped3A = tpu.sem_alloc : memref<!tpu.dma_semaphore, #tpu.memory_space<semaphore_mem>>
        %dma_start3A_22 = tpu.memref_slice %arg4[%add3A_11] : memref<32768xi32, #tpu.memory_space<hbm>> -> memref<128xi32, #tpu.memory_space<hbm>>
        %dma_start3A_23 = tpu.memref_slice %arg4[%add3A_11] : memref<32768xi32, #tpu.memory_space<hbm>> -> memref<128xi32, #tpu.memory_space<hbm>>
        tpu.enqueue_dma source(%dma_start3A_23 : memref<128xi32, #tpu.memory_space<hbm>>) target(%arg6 : memref<128xi32, #tpu.memory_space<vmem>>) target_semaphore(%run_scoped3A : memref<!tpu.dma_semaphore, #tpu.memory_space<semaphore_mem>>)
        %dma_wait3A_24 = tpu.memref_slice %arg4[%add3A_11] : memref<32768xi32, #tpu.memory_space<hbm>> -> memref<128xi32, #tpu.memory_space<hbm>>
        %dma_wait3A_25 = tpu.memref_slice %arg4[%add3A_11] : memref<32768xi32, #tpu.memory_space<hbm>> -> memref<128xi32, #tpu.memory_space<hbm>>
        tpu.wait_dma2 semaphore(%run_scoped3A : memref<!tpu.dma_semaphore, #tpu.memory_space<semaphore_mem>>) src(%dma_wait3A_25 : memref<128xi32, #tpu.memory_space<hbm>>) dst(%arg6 : memref<128xi32, #tpu.memory_space<vmem>>)
        tpu.yield
      }) : () -> ()
      %dma_start3A = arith.constant 0 : i32
      %dma_start3A_12 = arith.constant 0 : i32
      %dma_start3A_13 = tpu.memref_slice %arg3[%dma_start3A, %dma_start3A_12] : memref<64x128xf32, #tpu.memory_space<hbm>> -> memref<64x128xf32, #tpu.memory_space<hbm>>
      tpu.enqueue_indirect_dma source(%dma_start3A_13 : memref<64x128xf32, #tpu.memory_space<hbm>>) target(%arg7 : memref<128x128xf32, #tpu.memory_space<vmem>>) offsets(%arg6 : memref<128xi32, #tpu.memory_space<vmem>>) semaphore(%arg10 : memref<!tpu.dma_semaphore, #tpu.memory_space<semaphore_mem>>)
      %dma_wait3A = arith.constant 0 : i32
      %dma_wait3A_14 = arith.constant 0 : i32
      %dma_wait3A_15 = tpu.memref_slice %arg3[%dma_wait3A, %dma_wait3A_14] : memref<64x128xf32, #tpu.memory_space<hbm>> -> memref<64x128xf32, #tpu.memory_space<hbm>>
      tpu.wait_indirect_dma semaphore(%arg10 : memref<!tpu.dma_semaphore, #tpu.memory_space<semaphore_mem>>) src(%dma_wait3A_15 : memref<64x128xf32, #tpu.memory_space<hbm>>) dst(%arg7 : memref<128x128xf32, #tpu.memory_space<vmem>>)
      "tpu.region"() ({
        %run_scoped3A = tpu.sem_alloc : memref<!tpu.dma_semaphore, #tpu.memory_space<semaphore_mem>>
        %dma_start3A_22 = arith.constant 0 : i32
        %dma_start3A_23 = tpu.memref_slice %arg2[%add3A_11, %dma_start3A_22] : memref<32768x64xf32, #tpu.memory_space<hbm>> -> memref<128x64xf32, #tpu.memory_space<hbm>>
        %dma_start3A_24 = arith.constant 0 : i32
        %dma_start3A_25 = tpu.memref_slice %arg2[%add3A_11, %dma_start3A_24] : memref<32768x64xf32, #tpu.memory_space<hbm>> -> memref<128x64xf32, #tpu.memory_space<hbm>>
        tpu.enqueue_dma source(%dma_start3A_25 : memref<128x64xf32, #tpu.memory_space<hbm>>) target(%arg8 : memref<128x64xf32, #tpu.memory_space<vmem>>) target_semaphore(%run_scoped3A : memref<!tpu.dma_semaphore, #tpu.memory_space<semaphore_mem>>)
        %dma_wait3A_26 = arith.constant 0 : i32
        %dma_wait3A_27 = tpu.memref_slice %arg2[%add3A_11, %dma_wait3A_26] : memref<32768x64xf32, #tpu.memory_space<hbm>> -> memref<128x64xf32, #tpu.memory_space<hbm>>
        %dma_wait3A_28 = arith.constant 0 : i32
        %dma_wait3A_29 = tpu.memref_slice %arg2[%add3A_11, %dma_wait3A_28] : memref<32768x64xf32, #tpu.memory_space<hbm>> -> memref<128x64xf32, #tpu.memory_space<hbm>>
        tpu.wait_dma2 semaphore(%run_scoped3A : memref<!tpu.dma_semaphore, #tpu.memory_space<semaphore_mem>>) src(%dma_wait3A_29 : memref<128x64xf32, #tpu.memory_space<hbm>>) dst(%arg8 : memref<128x64xf32, #tpu.memory_space<vmem>>)
        tpu.yield
      }) : () -> ()
      %scan3A_16 = arith.constant 0 : i32
      %scan3A_17 = arith.constant 0 : i32
      %scan3A_18 = arith.constant 128 : i32
      %scan3A_19 = arith.addi %scan3A_17, %scan3A_18 : i32
      %scan3A_20 = arith.constant 1 : i32
      scf.for %scan3A_22 = %scan3A_17 to %scan3A_19 step %scan3A_20  : i32 {
        %get3A = arith.index_cast %scan3A_22 : i32 to index
        %get3A_23 = arith.constant 64 : index
        %get3A_24 = tpu.vector_load %arg7[%get3A, %get3A_23] {strides = array<i32>} : memref<128x128xf32, #tpu.memory_space<vmem>>, vector<1x16xf32>,
        %get3A_25 = vector.shape_cast %get3A_24 : vector<1x16xf32> to vector<1x16xf32>
        %reshape3A = vector.shape_cast %get3A_25 : vector<1x16xf32> to vector<16xf32>
        %get3A_26 = arith.index_cast %scan3A_22 : i32 to index
        %get3A_27 = arith.constant 0 : index
        %get3A_28 = tpu.vector_load %arg7[%get3A_26, %get3A_27] {strides = array<i32>} : memref<128x128xf32, #tpu.memory_space<vmem>>, vector<1x16xf32>,
        %get3A_29 = vector.shape_cast %get3A_28 : vector<1x16xf32> to vector<1x16xf32>
        %reshape3A_30 = vector.shape_cast %get3A_29 : vector<1x16xf32> to vector<16xf32>
        %get3A_31 = arith.index_cast %scan3A_22 : i32 to index
        %get3A_32 = arith.constant 0 : index
        %get3A_33 = tpu.vector_load %arg8[%get3A_31, %get3A_32] {strides = array<i32>} : memref<128x64xf32, #tpu.memory_space<vmem>>, vector<1x16xf32>,
        %get3A_34 = vector.shape_cast %get3A_33 : vector<1x16xf32> to vector<1x16xf32>
        %reshape3A_35 = vector.shape_cast %get3A_34 : vector<1x16xf32> to vector<16xf32>
        %sub3A = arith.subf %reshape3A_30, %reshape3A_35 : vector<16xf32>
        %mul3A_36 = arith.mulf %reshape3A, %sub3A : vector<16xf32>
        %add3A_37 = arith.addf %reshape3A_35, %mul3A_36 : vector<16xf32>
        %reshape3A_38 = vector.shape_cast %add3A_37 : vector<16xf32> to vector<1x16xf32>
        %swap3A = arith.index_cast %scan3A_22 : i32 to index
        %swap3A_39 = arith.constant 0 : index
        %swap3A_40 = tpu.vector_load %arg9[%swap3A, %swap3A_39] {strides = array<i32>} : memref<128x64xf32, #tpu.memory_space<vmem>>, vector<1x16xf32>,
        %swap3A_41 = vector.shape_cast %swap3A_40 : vector<1x16xf32> to vector<1x16xf32>
        %swap3A_42 = vector.shape_cast %reshape3A_38 : vector<1x16xf32> to vector<1x16xf32>
        tpu.vector_store %arg9[%swap3A, %swap3A_39], %swap3A_42 {strides = array<i32>} : memref<128x64xf32, #tpu.memory_space<vmem>>, vector<1x16xf32>,
        %get3A_43 = arith.index_cast %scan3A_22 : i32 to index
        %get3A_44 = arith.constant 16 : index
        %get3A_45 = tpu.vector_load %arg7[%get3A_43, %get3A_44] {strides = array<i32>} : memref<128x128xf32, #tpu.memory_space<vmem>>, vector<1x16xf32>,
        %get3A_46 = vector.shape_cast %get3A_45 : vector<1x16xf32> to vector<1x16xf32>
        %reshape3A_47 = vector.shape_cast %get3A_46 : vector<1x16xf32> to vector<16xf32>
        %get3A_48 = arith.index_cast %scan3A_22 : i32 to index
        %get3A_49 = arith.constant 16 : index
        %get3A_50 = tpu.vector_load %arg8[%get3A_48, %get3A_49] {strides = array<i32>} : memref<128x64xf32, #tpu.memory_space<vmem>>, vector<1x16xf32>,
        %get3A_51 = vector.shape_cast %get3A_50 : vector<1x16xf32> to vector<1x16xf32>
        %reshape3A_52 = vector.shape_cast %get3A_51 : vector<1x16xf32> to vector<16xf32>
        %sub3A_53 = arith.subf %reshape3A_47, %reshape3A_52 : vector<16xf32>
        %mul3A_54 = arith.mulf %reshape3A, %sub3A_53 : vector<16xf32>
        %add3A_55 = arith.addf %reshape3A_52, %mul3A_54 : vector<16xf32>
        %reshape3A_56 = vector.shape_cast %add3A_55 : vector<16xf32> to vector<1x16xf32>
        %swap3A_57 = arith.index_cast %scan3A_22 : i32 to index
        %swap3A_58 = arith.constant 16 : index
        %swap3A_59 = tpu.vector_load %arg9[%swap3A_57, %swap3A_58] {strides = array<i32>} : memref<128x64xf32, #tpu.memory_space<vmem>>, vector<1x16xf32>,
        %swap3A_60 = vector.shape_cast %swap3A_59 : vector<1x16xf32> to vector<1x16xf32>
        %swap3A_61 = vector.shape_cast %reshape3A_56 : vector<1x16xf32> to vector<1x16xf32>
        tpu.vector_store %arg9[%swap3A_57, %swap3A_58], %swap3A_61 {strides = array<i32>} : memref<128x64xf32, #tpu.memory_space<vmem>>, vector<1x16xf32>,
        %get3A_62 = arith.index_cast %scan3A_22 : i32 to index
        %get3A_63 = arith.constant 32 : index
        %get3A_64 = tpu.vector_load %arg7[%get3A_62, %get3A_63] {strides = array<i32>} : memref<128x128xf32, #tpu.memory_space<vmem>>, vector<1x16xf32>,
        %get3A_65 = vector.shape_cast %get3A_64 : vector<1x16xf32> to vector<1x16xf32>
        %reshape3A_66 = vector.shape_cast %get3A_65 : vector<1x16xf32> to vector<16xf32>
        %get3A_67 = arith.index_cast %scan3A_22 : i32 to index
        %get3A_68 = arith.constant 32 : index
        %get3A_69 = tpu.vector_load %arg8[%get3A_67, %get3A_68] {strides = array<i32>} : memref<128x64xf32, #tpu.memory_space<vmem>>, vector<1x16xf32>,
        %get3A_70 = vector.shape_cast %get3A_69 : vector<1x16xf32> to vector<1x16xf32>
        %reshape3A_71 = vector.shape_cast %get3A_70 : vector<1x16xf32> to vector<16xf32>
        %sub3A_72 = arith.subf %reshape3A_66, %reshape3A_71 : vector<16xf32>
        %mul3A_73 = arith.mulf %reshape3A, %sub3A_72 : vector<16xf32>
        %add3A_74 = arith.addf %reshape3A_71, %mul3A_73 : vector<16xf32>
        %reshape3A_75 = vector.shape_cast %add3A_74 : vector<16xf32> to vector<1x16xf32>
        %swap3A_76 = arith.index_cast %scan3A_22 : i32 to index
        %swap3A_77 = arith.constant 32 : index
        %swap3A_78 = tpu.vector_load %arg9[%swap3A_76, %swap3A_77] {strides = array<i32>} : memref<128x64xf32, #tpu.memory_space<vmem>>, vector<1x16xf32>,
        %swap3A_79 = vector.shape_cast %swap3A_78 : vector<1x16xf32> to vector<1x16xf32>
        %swap3A_80 = vector.shape_cast %reshape3A_75 : vector<1x16xf32> to vector<1x16xf32>
        tpu.vector_store %arg9[%swap3A_76, %swap3A_77], %swap3A_80 {strides = array<i32>} : memref<128x64xf32, #tpu.memory_space<vmem>>, vector<1x16xf32>,
        %get3A_81 = arith.index_cast %scan3A_22 : i32 to index
        %get3A_82 = arith.constant 48 : index
        %get3A_83 = tpu.vector_load %arg7[%get3A_81, %get3A_82] {strides = array<i32>} : memref<128x128xf32, #tpu.memory_space<vmem>>, vector<1x16xf32>,
        %get3A_84 = vector.shape_cast %get3A_83 : vector<1x16xf32> to vector<1x16xf32>
        %reshape3A_85 = vector.shape_cast %get3A_84 : vector<1x16xf32> to vector<16xf32>
        %get3A_86 = arith.index_cast %scan3A_22 : i32 to index
        %get3A_87 = arith.constant 48 : index
        %get3A_88 = tpu.vector_load %arg8[%get3A_86, %get3A_87] {strides = array<i32>} : memref<128x64xf32, #tpu.memory_space<vmem>>, vector<1x16xf32>,
        %get3A_89 = vector.shape_cast %get3A_88 : vector<1x16xf32> to vector<1x16xf32>
        %reshape3A_90 = vector.shape_cast %get3A_89 : vector<1x16xf32> to vector<16xf32>
        %sub3A_91 = arith.subf %reshape3A_85, %reshape3A_90 : vector<16xf32>
        %mul3A_92 = arith.mulf %reshape3A, %sub3A_91 : vector<16xf32>
        %add3A_93 = arith.addf %reshape3A_90, %mul3A_92 : vector<16xf32>
        %reshape3A_94 = vector.shape_cast %add3A_93 : vector<16xf32> to vector<1x16xf32>
        %swap3A_95 = arith.index_cast %scan3A_22 : i32 to index
        %swap3A_96 = arith.constant 48 : index
        %swap3A_97 = tpu.vector_load %arg9[%swap3A_95, %swap3A_96] {strides = array<i32>} : memref<128x64xf32, #tpu.memory_space<vmem>>, vector<1x16xf32>,
        %swap3A_98 = vector.shape_cast %swap3A_97 : vector<1x16xf32> to vector<1x16xf32>
        %swap3A_99 = vector.shape_cast %reshape3A_94 : vector<1x16xf32> to vector<1x16xf32>
        tpu.vector_store %arg9[%swap3A_95, %swap3A_96], %swap3A_99 {strides = array<i32>} : memref<128x64xf32, #tpu.memory_space<vmem>>, vector<1x16xf32>,
      }
      %scan3A_21 = arith.constant 128 : i32
      "tpu.region"() ({
        %run_scoped3A = tpu.sem_alloc : memref<!tpu.dma_semaphore, #tpu.memory_space<semaphore_mem>>
        %dma_start3A_22 = arith.constant 0 : i32
        %dma_start3A_23 = tpu.memref_slice %arg5[%add3A_11, %dma_start3A_22] : memref<32768x64xf32, #tpu.memory_space<hbm>> -> memref<128x64xf32, #tpu.memory_space<hbm>>
        %dma_start3A_24 = arith.constant 0 : i32
        %dma_start3A_25 = tpu.memref_slice %arg5[%add3A_11, %dma_start3A_24] : memref<32768x64xf32, #tpu.memory_space<hbm>> -> memref<128x64xf32, #tpu.memory_space<hbm>>
        tpu.enqueue_dma source(%arg9 : memref<128x64xf32, #tpu.memory_space<vmem>>) target(%dma_start3A_25 : memref<128x64xf32, #tpu.memory_space<hbm>>) target_semaphore(%run_scoped3A : memref<!tpu.dma_semaphore, #tpu.memory_space<semaphore_mem>>)
        %dma_wait3A_26 = arith.constant 0 : i32
        %dma_wait3A_27 = tpu.memref_slice %arg5[%add3A_11, %dma_wait3A_26] : memref<32768x64xf32, #tpu.memory_space<hbm>> -> memref<128x64xf32, #tpu.memory_space<hbm>>
        %dma_wait3A_28 = arith.constant 0 : i32
        %dma_wait3A_29 = tpu.memref_slice %arg5[%add3A_11, %dma_wait3A_28] : memref<32768x64xf32, #tpu.memory_space<hbm>> -> memref<128x64xf32, #tpu.memory_space<hbm>>
        tpu.wait_dma2 semaphore(%run_scoped3A : memref<!tpu.dma_semaphore, #tpu.memory_space<semaphore_mem>>) src(%arg9 : memref<128x64xf32, #tpu.memory_space<vmem>>) dst(%dma_wait3A_29 : memref<128x64xf32, #tpu.memory_space<hbm>>)
        tpu.yield
      }) : () -> ()
    }
    %scan3A_7 = arith.constant 8 : i32
    return
  }
}

module attributes {stable_mosaic.version = 14 : i64} {
  func.func @_tc_body(%arg0: i32, %arg1: memref<64x8192xf32, #tpu.memory_space<vmem>>, %arg2: memref<64x64xf32, #tpu.memory_space<vmem>>, %arg3: memref<1x1x8192xi32, #tpu.memory_space<vmem>>) attributes {dimension_semantics = [#tpu.dimension_semantics<arbitrary>], iteration_bounds = array<i64: 4>, scalar_prefetch = 0 : i64, scratch_operands = 0 : i64, tpu.core_type = #tpu.core_type<tc>, window_params = [{transform_indices = @transform_0, window_bounds = array<i64: 64, 8192>}, {pipeline_mode = #tpu.pipeline_mode<synchronous>, transform_indices = @transform_1, window_bounds = array<i64: 64, 64>}, {transform_indices = @transform_2, window_bounds = array<i64: 1, 1, 8192>}]} {
    %get3A = arith.constant 0 : index
    %get3A_0 = arith.constant 0 : index
    %get3A_1 = vector.load %arg1[%get3A, %get3A_0] : memref<64x8192xf32, #tpu.memory_space<vmem>>, vector<64x8192xf32>
    %get3A_2 = arith.constant 0 : index
    %get3A_3 = arith.constant 0 : index
    %get3A_4 = vector.load %arg2[%get3A_2, %get3A_3] : memref<64x64xf32, #tpu.memory_space<vmem>>, vector<64x64xf32>
    %mul3A = arith.mulf %get3A_4, %get3A_4 : vector<64x64xf32>
    %reduce_sum3A = arith.constant dense<0.000000e+00> : vector<64xf32>
    %reduce_sum3A_5 = vector.multi_reduction <add>, %mul3A, %reduce_sum3A [1] : vector<64x64xf32> to vector<64xf32>
    %broadcast_in_dim3A = vector.shape_cast %reduce_sum3A_5 : vector<64xf32> to vector<64x1xf32>
    %dot_general3A = arith.constant dense<0.000000e+00> : vector<64x8192xf32>
    %dot_general3A_6 = tpu.matmul %get3A_4, %get3A_1, %dot_general3A {dimension_numbers = #tpu.dot_dimension_numbers<[1], [0], [0], [1], [0, 0, 1, 1], [], []>, precision = #tpu.contract_precision<fp32>, transpose_lhs_hint = false} : vector<64x64xf32>, vector<64x8192xf32>, vector<64x8192xf32> -> vector<64x8192xf32>
    %mul3A_7 = arith.constant 2.000000e+00 : f32
    %mul3A_8 = vector.broadcast %mul3A_7 : f32 to vector<64x8192xf32>
    %mul3A_9 = arith.mulf %mul3A_8, %dot_general3A_6 : vector<64x8192xf32>
    %sub3A = vector.broadcast %broadcast_in_dim3A : vector<64x1xf32> to vector<64x8192xf32>
    %sub3A_10 = arith.subf %sub3A, %mul3A_9 : vector<64x8192xf32>
    %reduce_min3A = arith.constant dense<0x7F800000> : vector<8192xf32>
    %reduce_min3A_11 = vector.multi_reduction <minimumf>, %sub3A_10, %reduce_min3A [0] : vector<64x8192xf32> to vector<8192xf32>
    %broadcast_in_dim3A_12 = vector.shape_cast %reduce_min3A_11 : vector<8192xf32> to vector<1x8192xf32>
    %iota3A = tpu.iota {dimensions = array<i32: 0>} : vector<64x8192xi32>
    %eq3A = vector.broadcast %broadcast_in_dim3A_12 : vector<1x8192xf32> to vector<64x8192xf32>
    %eq3A_13 = arith.cmpf oeq, %sub3A_10, %eq3A : vector<64x8192xf32>
    %jit3A = arith.constant 64 : i32
    %broadcast_in_dim3A_14 = vector.broadcast %jit3A : i32 to vector<64x8192xi32>
    %select_n3A = arith.select %eq3A_13, %iota3A, %broadcast_in_dim3A_14 : vector<64x8192xi1>, vector<64x8192xi32>
    %reduce_min3A_15 = arith.constant dense<2147483647> : vector<8192xi32>
    %reduce_min3A_16 = vector.multi_reduction <minsi>, %select_n3A, %reduce_min3A_15 [0] : vector<64x8192xi32> to vector<8192xi32>
    %broadcast_in_dim3A_17 = vector.shape_cast %reduce_min3A_16 : vector<8192xi32> to vector<1x8192xi32>
    %broadcast_in_dim3A_18 = vector.shape_cast %broadcast_in_dim3A_17 : vector<1x8192xi32> to vector<1x1x8192xi32>
    %swap3A = arith.constant 0 : index
    %swap3A_19 = arith.constant 0 : index
    %swap3A_20 = arith.constant 0 : index
    %swap3A_21 = vector.load %arg3[%swap3A, %swap3A_19, %swap3A_20] : memref<1x1x8192xi32, #tpu.memory_space<vmem>>, vector<1x1x8192xi32>
    tpu.vector_store %arg3[%swap3A, %swap3A_19, %swap3A_20], %broadcast_in_dim3A_18 {strides = array<i32>} : memref<1x1x8192xi32, #tpu.memory_space<vmem>>, vector<1x1x8192xi32>,
    return
  }
  func.func @transform_0(%arg0: i32) -> (i32, i32) {
    %c0_i32 = arith.constant 0 : i32
    %c0_i32_0 = arith.constant 0 : i32
    return %c0_i32, %arg0 : i32, i32
  }
  func.func @transform_1(%arg0: i32) -> (i32, i32) {
    %c0_i32 = arith.constant 0 : i32
    %c0_i32_0 = arith.constant 0 : i32
    %c0_i32_1 = arith.constant 0 : i32
    return %c0_i32, %c0_i32_0 : i32, i32
  }
  func.func @transform_2(%arg0: i32) -> (i32, i32, i32) {
    %c0_i32 = arith.constant 0 : i32
    %c0_i32_0 = arith.constant 0 : i32
    %c0_i32_1 = arith.constant 0 : i32
    return %arg0, %c0_i32, %c0_i32_0 : i32, i32, i32
  }
}

</mosaic_0001>

<sc_bundles>
// kernel: kernel.4.cloned.1.call-start
scs
__scs_entry_jumppad:
0x0: {  	(pc) =	sbr.rel $0x88, $3  }
0x1: {  	(tag) =	ssettag $0x0;
	lr =	simm.s32 $0x1  }
0x2: {  	[smem:$0x3F9E] =	sst lr;
	_ =	strace $0xD0000000  }
0x3: {  	_ = 	snop  }
0x4: {  	_ = 	snop  }
0x5: {  	_ = 	snop  }
0x6: {  	_ = 	snop  }
0x7: {  	_ = 	snop  }
__scs_overlays_trampoline_lowered:
0x8: {  	[smem:$0x3FAD] =	sst s0  }
0x9: {  	[smem:$0x3FAE] =	sst s1  }
0xa: {  	[smem:$0x3FAF] =	sst s2  }
0xb: {  	[smem:$0x3FB0] =	sst s3  }
0xc: {  	[smem:$0x3FB1] =	sst s4  }
0xd: {  	[smem:$0x3FB2] =	sst s5  }
0xe: {  	[smem:$0x3FB3] =	sst s6  }
0xf: {  	[smem:$0x3FB4] =	sst s7  }
0x10: {  	[smem:$0x3FB5] =	sst s8  }
0x11: {  	[smem:$0x3FB6] =	sst s9;
	s0 =	simm.s32 @!p0 $0x0  }
0x12: {  	s1 =	sld [smem:$0x3F9C];
	s0 =	simm.s32 @p0 $0x1  }
0x13: {  	[smem:$0x3FB7] =	sst s0;
	s0 =	simm.s32 @!p1 $0x0  }
0x14: {  	s2 =	sld [smem:$0x3F9B];
	s0 =	simm.s32 @p1 $0x1  }
0x15: {  	[smem:$0x3FB8] =	sst s0;
	s0 =	simm.s32 @!p2 $0x0  }
0x16: {  	s3 =	sld [smem:$0x3FDB];
	s0 =	simm.s32 @p2 $0x1  }
0x17: {  	s4 =	simm.s32 $0x1BF5;
	[smem:$0x3FBA] =	sst s0  }
0x18: {  	s0 =	sld [smem:$0x3F9D];
	_ =	swait.ge [sflag:s4], $0x0  }
0x19: {  	s7 =	sld [smem:$0x3F9E]  }
0x1a: {  	s8 =	sadd.s32 $0xFFFFE003, lr  }
0x1b: {  	s9 =	sadd.s32 $0xFFFFFEF7, lr;
	s5 =	simm.s32 $0xFFFFFFFF;
	p2 =	slt.u32 s8, $0xFFFFF086  }
0x1c: {  	p1 =	slt.u32 s9, $0xF7A;
	s5 =	simm.s32 @!p2 $0x0  }
0x1d: {  	s5 =	simm.s32 @p1 $0x1;
	p0 =	seq.s32 s7, s2  }
0x1e: {  	s7 =	smul.u32 @!p0 $0xF7A, s2;
	p2 =	seq.s32 @!p0 s5, $0x0  }
0x1f: {  	s9 =	smul.u32 $0xF7A, s1;
	s8 =	simm.s32 @!p0 $0x1BF5;
	p2 =	por !p2, p0  }
0x20: {  	[sflag:s8] =	ssyncset.s32 @!p0 $0xFFFFF086;
	s6 =	sadd.s32 @!p0 s3, s7;
	s7 =	simm.s32 @!p0 $0x108  }
0x21: {  	s3 =	sadd.s32 s3, s9;
	s6 =	sadd.s32 @!p0 $0x88, s6;
	s7 =	simm.s32 @p2 $0x1082  }
0x22: {  	[simem:s7], [sflag:s8] =	dma.local @!p0 [hbm:s6], $0xF7A  }
0x23: {  	s9 =	sor.u32 $0xD0000000, s2;
	s6 =	simm.s32 $0x108;
	_ =	swait.ge @!p0 [sflag:s8], $0x0  }
0x24: {  	s3 =	sadd.s32 $0x88, s3;
	s6 =	simm.s32 @!p1 $0x1082;
	[sflag:s4] =	ssyncset.s32 $0xFFFFF086  }
0x25: {  	[simem:s6], [sflag:s4] =	dma.local [hbm:s3], $0xF7A  }
0x26: {  	[smem:$0x3F9E] =	sst s1;
	(tag) =	ssettag s2;
	_ =	strace s9  }
0x27: {  	s1 =	sld [smem:$0x3FAE]  }
0x28: {  	s2 =	sld [smem:$0x3FAF]  }
0x29: {  	s4 =	sld [smem:$0x3FB1]  }
0x2a: {  	p0 =	seq.s32 s5, $0x0;
	s5 =	sld [smem:$0x3FB2]  }
0x2b: {  	s6 =	sld [smem:$0x3FB3]  }
0x2c: {  	s7 =	sld [smem:$0x3FB4]  }
0x2d: {  	s3 =	simm.s32 $0x108;
	s8 =	sld [smem:$0x3FB5]  }
0x2e: {  	s3 =	simm.s32 @!p0 $0x1082;
	s9 =	sld [smem:$0x3FB6]  }
0x2f: {  	lr =	sadd.s32 s0, s3;
	s0 =	sld [smem:$0x3FAD]  }
0x30: {  	s3 =	sld [smem:$0x3FB0]  }
0x31: {  	[smem:$0x3FB9] =	sst s10  }
0x32: {  	s10 =	sld [smem:$0x3FB7];
	_ =	sdelay $0x3  }
0x33: {  	p0 =	seq.s32 s10, $0x1;
	s10 =	sld [smem:$0x3FB9];
	_ =	sdelay $0x3  }
0x34: {  	[smem:$0x3FB9] =	sst s10  }
0x35: {  	s10 =	sld [smem:$0x3FB8];
	_ =	sdelay $0x3  }
0x36: {  	p1 =	seq.s32 s10, $0x1;
	s10 =	sld [smem:$0x3FB9];
	_ =	sdelay $0x3  }
0x37: {  	[smem:$0x3FB9] =	sst s10  }
0x38: {  	s10 =	sld [smem:$0x3FBA]  }
0x39: {  	_ = 	snop;
	(pc) =	sbr.ind lr, $3  }
0x3a: {  	_ = 	snop  }
0x3b: {  	_ = 	snop  }
0x3c: {  	p2 =	seq.s32 s10, $0x1;
	s10 =	sld [smem:$0x3FB9]  }
0x3d: {  	_ =	shalt  }
0x3e: {  	_ =	shalt  }
0x3f: {  	_ =	shalt  }
0x40: {  	_ =	shalt  }
0x41: {  	_ =	shalt  }
0x42: {  	_ =	shalt  }
0x43: {  	_ =	shalt  }
0x44: {  	_ =	shalt  }
0x45: {  	_ =	shalt  }
0x46: {  	_ =	shalt  }
0x47: {  	_ =	shalt  }
0x48: {  	_ =	shalt  }
0x49: {  	_ =	shalt  }
0x4a: {  	_ =	shalt  }
0x4b: {  	_ =	shalt  }
0x4c: {  	_ =	shalt  }
0x4d: {  	_ =	shalt  }
0x4e: {  	_ =	shalt  }
0x4f: {  	_ =	shalt  }
0x50: {  	_ =	shalt  }
0x51: {  	_ =	shalt  }
0x52: {  	_ =	shalt  }
0x53: {  	_ =	shalt  }
0x54: {  	_ =	shalt  }
0x55: {  	_ =	shalt  }
0x56: {  	_ =	shalt  }
0x57: {  	_ =	shalt  }
0x58: {  	_ =	shalt  }
0x59: {  	_ =	shalt  }
0x5a: {  	_ =	shalt  }
0x5b: {  	_ =	shalt  }
0x5c: {  	_ =	shalt  }
0x5d: {  	_ =	shalt  }
0x5e: {  	_ =	shalt  }
0x5f: {  	_ =	shalt  }
0x60: {  	_ =	shalt  }
0x61: {  	_ =	shalt  }
0x62: {  	_ =	shalt  }
0x63: {  	_ =	shalt  }
0x64: {  	_ =	shalt  }
0x65: {  	_ =	shalt  }
0x66: {  	_ =	shalt  }
0x67: {  	_ =	shalt  }
0x68: {  	_ =	shalt  }
0x69: {  	_ =	shalt  }
0x6a: {  	_ =	shalt  }
0x6b: {  	_ =	shalt  }
0x6c: {  	_ =	shalt  }
0x6d: {  	_ =	shalt  }
0x6e: {  	_ =	shalt  }
0x6f: {  	_ =	shalt  }
0x70: {  	_ =	shalt  }
0x71: {  	_ =	shalt  }
0x72: {  	_ =	shalt  }
0x73: {  	_ =	shalt  }
0x74: {  	_ =	shalt  }
0x75: {  	_ =	shalt  }
0x76: {  	_ =	shalt  }
0x77: {  	_ =	shalt  }
0x78: {  	_ =	shalt  }
0x79: {  	_ =	shalt  }
0x7a: {  	_ =	shalt  }
0x7b: {  	_ =	shalt  }
0x7c: {  	_ =	shalt  }
0x7d: {  	_ =	shalt  }
0x7e: {  	_ =	shalt  }
0x7f: {  	_ =	shalt  }
0x80: {  	_ =	shalt  }
0x81: {  	_ =	shalt  }
0x82: {  	_ =	shalt  }
0x83: {  	_ =	shalt  }
0x84: {  	_ =	shalt  }
0x85: {  	_ =	shalt  }
0x86: {  	_ =	shalt  }
0x87: {  	_ =	shalt  }
.Lfunc_end0:
.L_simem_size_0:
called_computation_lowered:
.L_overlay_start_0:
0x88: {  	s2 =	sld [smem:$0x3FD9]  }
0x89: {  	s3 =	sld [smem:$0x3FFE];
	_ =	sdelay $0x1  }
0x8a: {  	s1 =	srdreg.scid  }
0x8b: {  	s0 =	sand.u32 $0x1, s1  }
0x8c: {  	s14 =	sshll.u32 s0, $0xA;
	s2 =	sadd.s32 s3, s2  }
0x8d: {  	s2 =	sadd.s32 s2, s14  }
0x8e: {  	[smem:$0x3FC5] =	sst s2  }
0x8f: {  	_ = 	snop  }
0x90: {  	s2 =	sld [smem:$0x3FD0];
	_ =	sdelay $0x2  }
0x91: {  	s15 =	simm.s32 $0xA;
	s4 =	simm.s32 $0x10  }
0x92: {  	[smem:s4], [sflag:s15] =	dma.local [hbm:s2], $0x1  }
0x93: {  	_ =	swait.eq [sflag:s15], $0x1  }
0x94: {  	[sflag:s15] =	ssyncset.done $0x0  }
0x95: {  	s16 =	sld [smem:$0x10];
	[sflag:s15] =	ssyncadd.s32 $0xFFFFFFFF  }
0x96: {  	s17 =	sld [smem:$0x11];
	(tm) =	ssettm $0x1  }
0x97: {  	s18 =	sld [smem:$0x3FFB];
	_ =	sdelay $0x3  }
0x98: {  	_ =	strace s18  }
0x99: {  	s4 =	sld [smem:$0x3FFC];
	_ =	sdelay $0x3  }
0x9a: {  	_ =	strace s4  }
0x9b: {  	s4 =	sld [smem:$0x3FFD];
	_ =	sdelay $0x3  }
0x9c: {  	_ =	strace s4  }
0x9d: {  	_ =	strace $0x8FFFFFFF  }
0x9e: {  	s19 =	sld [smem:$0x3FDB];
	_ =	sdelay $0x1  }
0x9f: {  	s5 =	simm.s32 $_scs_section_size  }
0xa0: {  	s6 =	simm.s32 $_size__tile_overlayer_lowered;
	s7 =	simm.s32 $_tile_overlayer_lowered  }
0xa1: {  	s22 =	simm.s32 $0x1BFF;
	s21 =	sshll.u32 s7, $0x1;
	s4 =	sadd.s32 s5, s19  }
0xa2: {  	s8 =	simm.s32 $0x0;
	s20 =	sshll.u32 s6, $0x1;
	s6 =	sadd.s32 s21, s4  }
0xa3: {  	[timem:s8], [sflag:s22] =	dma.local [hbm:s6], s20  }
0xa4: {  	_ =	swait.ge [sflag:s22], s20  }
0xa5: {  	s5 =	ssub.s32 $0x0, s20;
	[sflag:s22] =	ssyncset.done $0x0  }
0xa6: {  	[sflag:s22] =	ssyncadd.s32 s5;
	_ =	sdelay $0x1  }
0xa7: {  	s23 =	simm.s32 $0x1B8B  }
0xa8: {  	_ =	swait.ge [sflag:s23], $0x1  }
0xa9: {  	[sflag:s23] =	ssyncset.done $0x0  }
0xaa: {  	s25 =	simm.s32 $0x1B8E;
	s24 =	sld [smem:$0x3FFE];
	[sflag:s23] =	ssyncadd.s32 $0xFFFFFFFF  }
0xab: {  	s26 =	simm.s32 $execute0_lowered;
	[smem:$0x3FD2] =	sst s25  }
0xac: {  	s6 =	sshll.u32 s26, $0x1;
	_ =	strace $0x80000046;
	[dreg:$0x1] =	wrdreg $0xFFFFFFFF  }
0xad: {  	s28 =	simm.s32 $_size_execute0_lowered;
	s4 =	sadd.s32 s4, s6;
	[dreg:$0x0] =	wrdreg $0x0  }
0xae: {  	s6 =	sshll.u32 s28, $0x1;
	[dreg:$0x2] =	wrdreg s4  }
0xaf: {  	[dreg:$0x3] =	wrdreg s6  }
0xb0: {  	[dreg:$0x4] =	wrdreg $0xC0  }
0xb1: {  	_ =	task [dreg:s8], $0x5FFFF  }
0xb2: {  	[dreg:$0x1] =	wrdreg $0xFFFFFFFF  }
0xb3: {  	[dreg:$0x0] =	wrdreg $0x60  }
0xb4: {  	[dreg:$0x2] =	wrdreg s24  }
0xb5: {  	[dreg:$0x3] =	wrdreg s16  }
0xb6: {  	[dreg:$0x4] =	wrdreg s17  }
0xb7: {  	[dreg:$0x5] =	wrdreg $0x9  }
0xb8: {  	_ =	task.clear_ibuf [dreg:s8], $0x6FFFF;
	_ =	strace $0x90000046  }
0xb9: {  	s29 =	simm.s32 $0x9;
	_ =	strace $0x80000048  }
0xba: {  	_ =	swait.ge [sflag:s29], $0x1  }
0xbb: {  	[sflag:s29] =	ssyncadd.s32 $0xFFFFFFFF  }
0xbc: {  	_ =	strace $0x90000048  }
0xbd: {  	_ =	sfence  }
0xbe: {  	s30 =	sld [smem:$0x0];
	_ =	sdelay $0x2  }
0xbf: {  	s31 =	sshll.u32 s1, $0xD;
	s1 =	sshrl.u32 s1, $0x2  }
0xc0: {  	s3 =	sand.u32 $0x4000, s31;
	s1 =	sadd.s32 s1, s30  }
0xc1: {  	s0 =	sor.u32 s3, s0;
	s1 =	sshll.u32 s1, $0x11  }
0xc2: {  	s0 =	sor.u32 s1, s0  }
0xc3: {  	s0 =	sadd.s32 $0x8F2B, s0  }
0xc4: {  	[sflag:s0] =	ssyncadd.remote.s32 $0x1  }
0xc5: {  	_ =	sfence.sel $0xFFFF  }
0xc6: {  	[dreg:$0x0] =	wrdreg $0xFFFFFFFF;
	(pc) =	sbr.abs _section_cstart, $3  }
0xc7: {  	[dreg:$0x1] =	wrdreg $0xFFFFFFFF  }
0xc8: {  	_ =	task.clear_ibuf [dreg:s8], $0x2FFFF;
	_ =	strace $0x9FFFFFFF  }
0xc9: {  	(tm) =	ssettm $0x7FFFFFFF  }
tec
execute0_lowered:
.L_overlay_start_1:
0x0: {  	(tag) =	ssettag $0x1  }
0x1: {  	s6 =	rddreg [dreg:$0x0]  }
0x2: {  	s1 =	rddreg [dreg:$0x1]  }
0x3: {  	s2 =	rddreg [dreg:$0x2]  }
0x4: {  	s0 =	rddreg [dreg:$0x3]  }
0x5: {  	s3 =	simm.s32 $0x0;
	s4 =	srdreg.scid;
	s10 =	simm.s32 $0x80  }
0x6: {  	s11 =	simm.s32 $0x1;
	s12 =	simm.s32 $0x4080;
	s13 =	simm.s32 $0x8080  }
0x7: {  	s14 =	simm.s32 $0x0;
	[smem:$0x7FF] =	sst s3;
	s7 =	sand.u32 $0x1, s4  }
0x8: {  	s5 =	sadd.s32 $0xE00, s6;
	s4 =	stileid.u32;
	s8 =	ssub.s32 $0x2, s7  }
0x9: {  	s6 =	sadd.s32 $0x80E00, s6;
	_ =	strace $0x80000047;
	s9 =	sshrl.u32 s8, $0x1  }
0xa: {  	s31 =	sshll.u32 s4, $0xB;
	s7 =	sshll.u32 s7, $0xA;
	s8 =	ssub.s32 s8, s9  }
0xb: {  	s7 =	sor.u32 s7, s31;
	s9 =	simm.s32 $0x2;
	s8 =	smax.u32 s8, $0x1  }
.LBB2_1:
0xc: {  	s15 =	simm.s32 $0x0  }
.LBB2_2:
0xd: {  	s16 =	sshll.u32 s15, $0x7  }
0xe: {  	s16 =	sadd.s32 s7, s16  }
0xf: {  	s17 =	sshrl.u32 s16, $0x3  }
0x10: {  	s18 =	simm.s32 $0x0;
	s17 =	sadd.s32 s2, s17  }
0x11: {  	[tilespmem:s18], [sflag:$0x2] =	stream.linear.gather [hbm4b:s17+s18], $0x80, $0x38;
	[tilespmem:$0xC080] =	vst v63  }
0x12: {  	_ =	swait.ge [sflag:s9], $0x80  }
0x13: {  	[sflag:s9] =	ssyncset.done $0x0  }
0x14: {  	[sflag:s9] =	ssyncadd.s32 $0xFFFFFF80  }
0x15: {  	[tilespmem:s10], [sflag:$0x1] =	stream.indirect.gather [hbm4b:s1+s10], $0x80, s18, s10, $0xb8;
	[tilespmem:$0xC080] =	vst v63  }
0x16: {  	_ =	swait.ge [sflag:s11], $0x4000  }
0x17: {  	s16 =	sshll.u32 s16, $0x4;
	[sflag:s11] =	ssyncset.done $0x0  }
0x18: {  	s31 =	sadd.s32 s5, s16;
	[sflag:s11] =	ssyncadd.s32 $0xFFFFC000  }
0x19: {  	[tilespmem:s12], [sflag:$0x2] =	stream.linear.gather [hbm4b:s31+s18], $0x4000, $0x38;
	[tilespmem:$0xC080] =	vst v63  }
0x1a: {  	_ =	swait.ge [sflag:s9], $0x4000  }
0x1b: {  	[sflag:s9] =	ssyncset.done $0x0  }
0x1c: {  	s18 =	simm.s32 $0x0;
	[sflag:s9] =	ssyncadd.s32 $0xFFFFC000  }
0x1d: {  	v0 =	vld [tilespmem:s18+$0xB0]  }
0x1e: {  	v1 =	vld [tilespmem:s18+$0x40B0]  }
0x1f: {  	v2 =	vld [tilespmem:s18+$0x80]  }
0x20: {  	v7 =	vld [tilespmem:s18+$0xC0]  }
0x21: {  	v5 =	vld [tilespmem:s18+$0x4080]  }
0x22: {  	v4 =	vld [tilespmem:s18+$0x90]  }
0x23: {  	v6 =	vld [tilespmem:s18+$0x4090];
	v0 =	vsub.f32 v0, v1  }
0x24: {  	v8 =	vld [tilespmem:s18+$0xA0]  }
0x25: {  	s17 =	simm.s32 $0x80;
	v9 =	vld [tilespmem:s18+$0x40A0];
	v0 =	vmul.f32 v0, v7  }
0x26: {  	v10 =	vld [tilespmem:s17+$0xB0]  }
0x27: {  	v3 =	vld [tilespmem:s17+$0x40B0];
	v2 =	vsub.f32 v2, v5;
	v0 =	vadd.f32 v0, v1  }
0x28: {  	v11 =	vld [tilespmem:s17+$0x80]  }
0x29: {  	v2 =	vmul.f32 v2, v7;
	v1 =	vld [tilespmem:s17+$0xC0];
	[tilespmem:s18+$0x80B0] =	vst v0;
	v0 =	vsub.f32 v4, v6;
	_ =	sdelay $0x1  }
0x2a: {  	v8 =	vsub.f32 v8, v9;
	v2 =	vadd.f32 v2, v5;
	v4 =	vld [tilespmem:s17+$0x4080];
	v12 =	vmul.f32 v0, v7  }
0x2b: {  	v5 =	vld [tilespmem:s17+$0x90]  }
0x2c: {  	v10 =	vsub.f32 v10, v3;
	v0 =	vld [tilespmem:s17+$0x4090];
	[tilespmem:s18+$0x8080] =	vst v2;
	v7 =	vmul.f32 v8, v7;
	v12 =	vadd.f32 v12, v6  }
0x2d: {  	v2 =	vld [tilespmem:s17+$0x40A0]  }
0x2e: {  	s19 =	simm.s32 $0x100;
	v8 =	vmul.f32 v10, v1;
	v6 =	vld [tilespmem:s17+$0xA0];
	v9 =	vadd.f32 v7, v9;
	[tilespmem:s18+$0x8090] =	vst v12  }
0x2f: {  	s20 =	simm.s32 $0x600;
	v10 =	vsub.f32 v11, v4;
	v7 =	vld [tilespmem:s19+$0xB0]  }
.LBB2_3:
0x30: {  	p0 =	sne.s32 s20, $0xFE00;
	v8 =	vadd.f32 v8, v3;
	v3 =	vld [tilespmem:s19+$0x40B0];
	[tilespmem:s18+$0x80A0] =	vst v9;
	s18 =	smov.u32 s17;
	s17 =	smov.u32 s19  }
0x31: {  	v11 =	vld [tilespmem:s17+$0x80];
	v9 =	vmul.f32 v10, v1;
	v5 =	vsub.f32 v5, v0  }
0x32: {  	v10 =	vld [tilespmem:s17+$0xC0];
	[tilespmem:s18+$0x80B0] =	vst v8  }
0x33: {  	v8 =	vadd.f32 v9, v4;
	v4 =	vld [tilespmem:s17+$0x4080];
	v9 =	vmul.f32 v5, v1;
	v6 =	vsub.f32 v6, v2  }
.Ltmp0:
0x34: {  	v5 =	vld [tilespmem:s17+$0x90];
	(pc) =	sbr.rel @p0 .LBB2_3-.Ltmp0, $4  }
0x35: {  	v7 =	vsub.f32 v7, v3;
	[tilespmem:s18+$0x8080] =	vst v8;
	v9 =	vadd.f32 v9, v0;
	v0 =	vld [tilespmem:s17+$0x4090];
	v12 =	vmul.f32 v6, v1  }
0x36: {  	v6 =	vld [tilespmem:s17+$0xA0]  }
0x37: {  	s19 =	sshra.s32 s20, $0x2;
	v8 =	vmul.f32 v7, v10;
	[tilespmem:s18+$0x8090] =	vst v9;
	v9 =	vadd.f32 v12, v2;
	v2 =	vld [tilespmem:s17+$0x40A0];
	v1 =	vmov v10  }
0x38: {  	s20 =	sadd.s32 $0x200, s20;
	v7 =	vld [tilespmem:s19+$0xB0];
	v10 =	vsub.f32 v11, v4  }
0x39: {  	v11 =	vld [tilespmem:s19+$0x40B0];
	[tilespmem:s18+$0x80A0] =	vst v9;
	v3 =	vadd.f32 v8, v3  }
0x3a: {  	v50 =	vld [tilespmem:s19+$0x80];
	v10 =	vmul.f32 v10, v1  }
0x3b: {  	v9 =	vld [tilespmem:s19+$0xC0];
	[tilespmem:s17+$0x80B0] =	vst v3  }
0x3c: {  	v3 =	vld [tilespmem:s19+$0x4080];
	v4 =	vadd.f32 v10, v4  }
0x3d: {  	v51 =	vld [tilespmem:s19+$0x90]  }
0x3e: {  	v12 =	vld [tilespmem:s19+$0x4090];
	[tilespmem:s17+$0x8080] =	vst v4  }
0x3f: {  	v4 =	vld [tilespmem:s19+$0xA0]  }
0x40: {  	v5 =	vsub.f32 v5, v0;
	v13 =	vld [tilespmem:s19+$0x40A0]  }
0x41: {  	v6 =	vsub.f32 v6, v2  }
0x42: {  	v5 =	vmul.f32 v5, v1;
	v7 =	vsub.f32 v7, v11  }
0x43: {  	v52 =	vmul.f32 v6, v1;
	v53 =	vsub.f32 v50, v3  }
0x44: {  	v54 =	vadd.f32 v5, v0;
	v55 =	vmul.f32 v7, v9;
	v56 =	vsub.f32 v51, v12  }
0x45: {  	v1 =	vadd.f32 v52, v2;
	v57 =	vmul.f32 v53, v9;
	v4 =	vsub.f32 v4, v13  }
0x46: {  	[tilespmem:s17+$0x8090] =	vst v54;
	v58 =	vadd.f32 v55, v11;
	v59 =	vmul.f32 v56, v9  }
0x47: {  	[tilespmem:s17+$0x80A0] =	vst v1;
	v60 =	vadd.f32 v57, v3;
	v61 =	vmul.f32 v4, v9  }
0x48: {  	[tilespmem:s19+$0x80B0] =	vst v58;
	v62 =	vadd.f32 v59, v12  }
0x49: {  	s15 =	sadd.s32 $0x1, s15;
	[tilespmem:s19+$0x8080] =	vst v60;
	v63 =	vadd.f32 v61, v13  }
0x4a: {  	p0 =	sne.s32 s15, $0x8;
	[tilespmem:s19+$0x8090] =	vst v62  }
.Ltmp1:
0x4b: {  	s16 =	sadd.s32 s6, s16;
	[tilespmem:s19+$0x80A0] =	vst v63;
	(pc) =	sbr.rel @p0 .LBB2_2-.Ltmp1, $4  }
0x4c: {  	[hbm4b:s16+s3] =	stream.linear.scatter [tilespmem:s13], [sflag:$0x2], $0x4000, $0x38;
	[tilespmem:$0xC080] =	vst v63  }
0x4d: {  	_ =	swait.ge [sflag:s9], $0x4000  }
0x4e: {  	[sflag:s9] =	ssyncset.done $0x0  }
0x4f: {  	[sflag:s9] =	ssyncadd.s32 $0xFFFFC000  }
0x50: {  	s14 =	sadd.s32 $0x1, s14  }
0x51: {  	p0 =	sne.s32 s14, s8  }
.Ltmp2:
0x52: {  	_ = 	snop;
	(pc) =	sbr.rel @p0 .LBB2_1-.Ltmp2, $1  }
0x53: {  	_ =	sdelay $0x3  }
0x54: {  	_ =	sfence.sel $0x180000  }
0x55: {  	[bflag:$0x0] =	sbarrier.arrive $0xFFFF  }
0x56: {  	p0 =	sne.s32 s4, $0x0;
	_ =	strace $0x90000047  }
0x57: {  	s0 =	sadd.s32 @!p0 $0x100000, s0;
	[bflag:$0x2] =	sbarrier.arrive $0xFFFF  }
0x58: {  	[sflag:s0] =	ssyncadd.tile.s32 @!p0 $0x1;
	_ =	shalt  }
.Lfunc_end2:
_tile_overlayer_lowered:
.L_overlay_start_2:
0x59: {  	(tag) =	ssettag $0x2  }
0x5a: {  	s0 =	rddreg [dreg:$0x0];
	s2 =	stileid.u32  }
0x5b: {  	s1 =	rddreg [dreg:$0x1];
	p0 =	sne.s32 s2, $0x0  }
0x5c: {  	s3 =	rddreg [dreg:$0x2];
	[bflag:$0x3] =	sbarrier.arrive $0xFFFF;
	s2 =	simm.s32 @!p0 $0x1C02  }
0x5d: {  	[timem:s3], [sflag:s2] =	dma.local @!p0 [hbm:s0], s1  }
0x5e: {  	s0 =	simm.s32 @!p0 $0x2  }
0x5f: {  	_ =	swait.ge @!p0 [sflag:s0], s1  }
0x60: {  	s1 =	ssub.s32 @!p0 $0x0, s1;
	[sflag:s0] =	ssyncset.done @!p0 $0x0  }
0x61: {  	[sflag:s0] =	ssyncadd.s32 @!p0 s1  }
0x62: {  	[bflag:$0x3] =	sbarrier.arrive $0xFFFF  }
0x63: {  	_ =	shalt  }

</sc_bundles>
